<compile_context>
chip_gen: v7x
topology: tpu7x:2x2x1
jax: 0.10.2.dev20260603
libtpu: 0.0.44.dev20260713+nightly
codegen_flags: <defaults>
</compile_context>

<pallas_src>
import functools

import jax
import jax.numpy as jnp
from jax import lax
from jax.experimental import pallas as pl
from jax.experimental.pallas import tpu as pltpu
from jax.experimental.pallas import tpu_sc as plsc

_B = 16384
_D = 128
_T = 1000

_NC = 2
_NS = 16
_NW = _NC * _NS
_BPW = _B // _NW


def _sc_gather_body(t_hbm, la_hbm, lo_hbm, la_out_hbm, lo_out_hbm,
                    la_tab, lo_tab, idx_v, la_v, lo_v,
                    sem_a, sem_b, sem_c):
    wid = lax.axis_index("s") * _NC + lax.axis_index("c")
    base = wid * _BPW
    cp_a = pltpu.async_copy(la_hbm, la_tab, sem_a)
    cp_b = pltpu.async_copy(lo_hbm, lo_tab, sem_b)
    cp_c = pltpu.async_copy(t_hbm.at[pl.ds(base, _BPW)], idx_v, sem_c)
    cp_a.wait()
    cp_b.wait()
    cp_c.wait()
    def step(i, carry):
        sl = pl.ds(i * 16, 16)
        idx = idx_v[sl]
        la_v[sl] = plsc.load_gather(la_tab, [idx])
        lo_v[sl] = plsc.load_gather(lo_tab, [idx])
        return carry

    lax.fori_loop(0, _BPW // 16, step, 0)
    cp_d = pltpu.async_copy(la_v, la_out_hbm.at[pl.ds(base, _BPW)], sem_a)
    cp_e = pltpu.async_copy(lo_v, lo_out_hbm.at[pl.ds(base, _BPW)], sem_b)
    cp_d.wait()
    cp_e.wait()


_sc_gather = functools.partial(
    pl.kernel,
    mesh=plsc.VectorSubcoreMesh(core_axis_name="c", subcore_axis_name="s"),
    compiler_params=pltpu.CompilerParams(needs_layout_passes=False),
    out_type=(
        jax.ShapeDtypeStruct((_B,), jnp.float32),
        jax.ShapeDtypeStruct((_B,), jnp.float32),
    ),
    scratch_types=[
        pltpu.VMEM((_T,), jnp.float32),
        pltpu.VMEM((_T,), jnp.float32),
        pltpu.VMEM((_BPW,), jnp.int32),
        pltpu.VMEM((_BPW,), jnp.float32),
        pltpu.VMEM((_BPW,), jnp.float32),
        pltpu.SemaphoreType.DMA,
        pltpu.SemaphoreType.DMA,
        pltpu.SemaphoreType.DMA,
    ],
)(_sc_gather_body)


def _expand_rows(blk):
    r_sub = blk.shape[0]
    c = blk.reshape(r_sub, 1, _D)
    c = jnp.swapaxes(c, 1, 2)
    return c.reshape(r_sub * _D, 1)


def _tc_body(x_ref, la_ref, lo_ref, nc_ref, out_ref):
    la = _expand_rows(la_ref[...])
    lo = _expand_rows(lo_ref[...])
    a = la + x_ref[...]
    b = lo - jnp.log(nc_ref[...])
    m = jnp.maximum(a, b)
    z = jnp.exp2(jnp.abs(a - b) * (-1.4426950408889634))
    out_ref[...] = m + jnp.log2(1.0 + z) * 0.6931471805599453


_ROWS = 2048


def _tc_dense(log_x_0, la_t, lo_t, nc):
    grid = (_B // _ROWS,)
    return pl.pallas_call(
        _tc_body,
        grid=grid,
        in_specs=[
            pl.BlockSpec((_ROWS, _D), lambda i: (i, 0)),
            pl.BlockSpec((_ROWS // _D, _D), lambda i: (i, 0)),
            pl.BlockSpec((_ROWS // _D, _D), lambda i: (i, 0)),
            pl.BlockSpec((1, _D), lambda i: (0, 0)),
        ],
        out_specs=pl.BlockSpec((_ROWS, _D), lambda i: (i, 0)),
        out_shape=jax.ShapeDtypeStruct((_B, _D), jnp.float32),
    )(log_x_0, la_t, lo_t, nc)


def kernel(log_x_0, t, log_alpha_bar, log_one_minus_alpha_bar,
           num_classe_extended):
    la_t, lo_t = _sc_gather(t, log_alpha_bar, log_one_minus_alpha_bar)
    return _tc_dense(
        log_x_0,
        la_t.reshape(_B // _D, _D),
        lo_t.reshape(_B // _D, _D),
        num_classe_extended.reshape(1, _D),
    )

# --- scband reference (transcript-rebuilt; emitter-appended) ---
"""Pipeline reference for scband-multinomial-diffussion-29935922053628 (READ-ONLY COPY).

The authoritative reference and input builder live on the scoring server;
editing this copy changes nothing except your own understanding.
"""

import jax, jax.numpy as jnp
import numpy as np

LEVELS = [2,3,4,2,5,10,2,3,7,4,2,6,8,3,2,5,12,4,3,2,9,6,4,3,2,15]
T = 1000
B = 16384
D = sum(LEVELS)  # 128


def _schedule():
    # get_betas with type='segment', scale_start=0.9999, scale_end=0.0001
    # (beta_schedule is undefined in the source; faithful linear-in-alpha interpretation)
    betas = 1.0 - np.linspace(0.9999, 0.0001, T)
    alphas = 1.0 - betas
    alpha_bar = np.cumprod(alphas)
    log_alpha_bar = np.log(alpha_bar)
    log_one_minus_alpha_bar = np.log(1.0 - np.exp(log_alpha_bar) + 1e-40)
    return log_alpha_bar.astype(np.float32), log_one_minus_alpha_bar.astype(np.float32)


def setup_inputs(seed: int = 0) -> dict:
    key = jax.random.key(seed)
    k1, k2 = jax.random.split(key)
    log_x_0 = jax.random.normal(k1, (B, D), dtype=jnp.float32)
    t = jax.random.randint(k2, (B,), 0, T, dtype=jnp.int32)
    log_alpha_bar, log_one_minus_alpha_bar = _schedule()
    num_classe_extended = np.concatenate([np.repeat(l, l) for l in LEVELS]).astype(np.float32)
    return {
        "log_x_0": log_x_0,
        "t": t,
        "log_alpha_bar": jnp.asarray(log_alpha_bar),
        "log_one_minus_alpha_bar": jnp.asarray(log_one_minus_alpha_bar),
        "num_classe_extended": jnp.asarray(num_classe_extended),
    }


def reference(log_x_0, t, log_alpha_bar, log_one_minus_alpha_bar, num_classe_extended):
    # noise_data_point: q(x_t | x_0), eq 12 in Hoogeboom et al.
    # extract(a, t, x_shape) == a[t] broadcast across feature dim
    log_alpha_bar_t = log_alpha_bar[t][:, None]              # gather over timesteps
    log_one_minus_alpha_bar_t = log_one_minus_alpha_bar[t][:, None]
    log_prob = jnp.logaddexp(
        log_alpha_bar_t + log_x_0,
        log_one_minus_alpha_bar_t - jnp.log(num_classe_extended)[None, :],
    )
    return log_prob

if __name__ == "__main__":
    import jax
    _d = setup_inputs()
    print(jax.jit(kernel)(*tuple(_d.values())))

</pallas_src>

<mosaic_0001>
#map = affine_map<(d0, d1) -> (0)>
module attributes {stable_mosaic.version = 14 : i64} {
  func.func @_sc_gather_body(%arg0: i32, %arg1: i32, %arg2: memref<16384xi32, #tpu.memory_space<hbm>>, %arg3: memref<1000xf32, #tpu.memory_space<hbm>>, %arg4: memref<1000xf32, #tpu.memory_space<hbm>>, %arg5: memref<16384xf32, #tpu.memory_space<hbm>>, %arg6: memref<16384xf32, #tpu.memory_space<hbm>>, %arg7: memref<1000xf32, #tpu.memory_space<vmem>>, %arg8: memref<1000xf32, #tpu.memory_space<vmem>>, %arg9: memref<512xi32, #tpu.memory_space<vmem>>, %arg10: memref<512xf32, #tpu.memory_space<vmem>>, %arg11: memref<512xf32, #tpu.memory_space<vmem>>, %arg12: memref<!tpu.dma_semaphore, #tpu.memory_space<semaphore_mem>>, %arg13: memref<!tpu.dma_semaphore, #tpu.memory_space<semaphore_mem>>, %arg14: memref<!tpu.dma_semaphore, #tpu.memory_space<semaphore_mem>>) attributes {dimension_semantics = [#tpu.dimension_semantics<core_parallel>, #tpu.dimension_semantics<subcore_parallel>], iteration_bounds = array<i64: 2, 16>, scalar_prefetch = 0 : i64, scratch_operands = 8 : i64, tpu.core_type = #tpu.core_type<sc_vector_subcore>, window_params = [{transform_indices = #map}, {transform_indices = #map}, {transform_indices = #map}, {transform_indices = #map}, {transform_indices = #map}]} {
    %mul3A = arith.constant 2 : i32
    %mul3A_0 = arith.muli %arg1, %mul3A : i32
    %add3A = arith.addi %mul3A_0, %arg0 : i32
    %mul3A_1 = arith.constant 512 : i32
    %mul3A_2 = arith.muli %add3A, %mul3A_1 : i32
    tpu.enqueue_dma source(%arg3 : memref<1000xf32, #tpu.memory_space<hbm>>) target(%arg7 : memref<1000xf32, #tpu.memory_space<vmem>>) target_semaphore(%arg12 : memref<!tpu.dma_semaphore, #tpu.memory_space<semaphore_mem>>)
    tpu.enqueue_dma source(%arg4 : memref<1000xf32, #tpu.memory_space<hbm>>) target(%arg8 : memref<1000xf32, #tpu.memory_space<vmem>>) target_semaphore(%arg13 : memref<!tpu.dma_semaphore, #tpu.memory_space<semaphore_mem>>)
    %dma_start3A = tpu.memref_slice %arg2[%mul3A_2] : memref<16384xi32, #tpu.memory_space<hbm>> -> memref<512xi32, #tpu.memory_space<hbm>>
    %dma_start3A_3 = tpu.memref_slice %arg2[%mul3A_2] : memref<16384xi32, #tpu.memory_space<hbm>> -> memref<512xi32, #tpu.memory_space<hbm>>
    tpu.enqueue_dma source(%dma_start3A_3 : memref<512xi32, #tpu.memory_space<hbm>>) target(%arg9 : memref<512xi32, #tpu.memory_space<vmem>>) target_semaphore(%arg14 : memref<!tpu.dma_semaphore, #tpu.memory_space<semaphore_mem>>)
    tpu.wait_dma2 semaphore(%arg12 : memref<!tpu.dma_semaphore, #tpu.memory_space<semaphore_mem>>) src(%arg3 : memref<1000xf32, #tpu.memory_space<hbm>>) dst(%arg7 : memref<1000xf32, #tpu.memory_space<vmem>>)
    tpu.wait_dma2 semaphore(%arg13 : memref<!tpu.dma_semaphore, #tpu.memory_space<semaphore_mem>>) src(%arg4 : memref<1000xf32, #tpu.memory_space<hbm>>) dst(%arg8 : memref<1000xf32, #tpu.memory_space<vmem>>)
    %dma_wait3A = tpu.memref_slice %arg2[%mul3A_2] : memref<16384xi32, #tpu.memory_space<hbm>> -> memref<512xi32, #tpu.memory_space<hbm>>
    %dma_wait3A_4 = tpu.memref_slice %arg2[%mul3A_2] : memref<16384xi32, #tpu.memory_space<hbm>> -> memref<512xi32, #tpu.memory_space<hbm>>
    tpu.wait_dma2 semaphore(%arg14 : memref<!tpu.dma_semaphore, #tpu.memory_space<semaphore_mem>>) src(%dma_wait3A_4 : memref<512xi32, #tpu.memory_space<hbm>>) dst(%arg9 : memref<512xi32, #tpu.memory_space<vmem>>)
    %scan3A = arith.constant 0 : i32
    %scan3A_5 = arith.constant 0 : i32
    %scan3A_6 = arith.constant 32 : i32
    %scan3A_7 = arith.addi %scan3A_5, %scan3A_6 : i32
    %scan3A_8 = arith.constant 1 : i32
    scf.for %scan3A_18 = %scan3A_5 to %scan3A_7 step %scan3A_8  : i32 {
      %mul3A_19 = arith.constant 16 : i32
      %mul3A_20 = arith.muli %scan3A_18, %mul3A_19 : i32
      %get3A = arith.index_cast %mul3A_20 : i32 to index
      %get3A_21 = tpu.vector_load %arg9[%get3A] {strides = array<i32>} : memref<512xi32, #tpu.memory_space<vmem>>, vector<16xi32>,
      %gather3A = tpu.vector_load_idx %arg7[%get3A_21] : memref<1000xf32, #tpu.memory_space<vmem>>[vector<16xi32>], vector<16xf32>,
      %swap3A = arith.index_cast %mul3A_20 : i32 to index
      %swap3A_22 = tpu.vector_load %arg10[%swap3A] {strides = array<i32>} : memref<512xf32, #tpu.memory_space<vmem>>, vector<16xf32>,
      tpu.vector_store %arg10[%swap3A], %gather3A {strides = array<i32>} : memref<512xf32, #tpu.memory_space<vmem>>, vector<16xf32>,
      %gather3A_23 = tpu.vector_load_idx %arg8[%get3A_21] : memref<1000xf32, #tpu.memory_space<vmem>>[vector<16xi32>], vector<16xf32>,
      %swap3A_24 = arith.index_cast %mul3A_20 : i32 to index
      %swap3A_25 = tpu.vector_load %arg11[%swap3A_24] {strides = array<i32>} : memref<512xf32, #tpu.memory_space<vmem>>, vector<16xf32>,
      tpu.vector_store %arg11[%swap3A_24], %gather3A_23 {strides = array<i32>} : memref<512xf32, #tpu.memory_space<vmem>>, vector<16xf32>,
    }
    %scan3A_9 = arith.constant 32 : i32
    %dma_start3A_10 = tpu.memref_slice %arg5[%mul3A_2] : memref<16384xf32, #tpu.memory_space<hbm>> -> memref<512xf32, #tpu.memory_space<hbm>>
    %dma_start3A_11 = tpu.memref_slice %arg5[%mul3A_2] : memref<16384xf32, #tpu.memory_space<hbm>> -> memref<512xf32, #tpu.memory_space<hbm>>
    tpu.enqueue_dma source(%arg10 : memref<512xf32, #tpu.memory_space<vmem>>) target(%dma_start3A_11 : memref<512xf32, #tpu.memory_space<hbm>>) target_semaphore(%arg12 : memref<!tpu.dma_semaphore, #tpu.memory_space<semaphore_mem>>)
    %dma_start3A_12 = tpu.memref_slice %arg6[%mul3A_2] : memref<16384xf32, #tpu.memory_space<hbm>> -> memref<512xf32, #tpu.memory_space<hbm>>
    %dma_start3A_13 = tpu.memref_slice %arg6[%mul3A_2] : memref<16384xf32, #tpu.memory_space<hbm>> -> memref<512xf32, #tpu.memory_space<hbm>>
    tpu.enqueue_dma source(%arg11 : memref<512xf32, #tpu.memory_space<vmem>>) target(%dma_start3A_13 : memref<512xf32, #tpu.memory_space<hbm>>) target_semaphore(%arg13 : memref<!tpu.dma_semaphore, #tpu.memory_space<semaphore_mem>>)
    %dma_wait3A_14 = tpu.memref_slice %arg5[%mul3A_2] : memref<16384xf32, #tpu.memory_space<hbm>> -> memref<512xf32, #tpu.memory_space<hbm>>
    %dma_wait3A_15 = tpu.memref_slice %arg5[%mul3A_2] : memref<16384xf32, #tpu.memory_space<hbm>> -> memref<512xf32, #tpu.memory_space<hbm>>
    tpu.wait_dma2 semaphore(%arg12 : memref<!tpu.dma_semaphore, #tpu.memory_space<semaphore_mem>>) src(%arg10 : memref<512xf32, #tpu.memory_space<vmem>>) dst(%dma_wait3A_15 : memref<512xf32, #tpu.memory_space<hbm>>)
    %dma_wait3A_16 = tpu.memref_slice %arg6[%mul3A_2] : memref<16384xf32, #tpu.memory_space<hbm>> -> memref<512xf32, #tpu.memory_space<hbm>>
    %dma_wait3A_17 = tpu.memref_slice %arg6[%mul3A_2] : memref<16384xf32, #tpu.memory_space<hbm>> -> memref<512xf32, #tpu.memory_space<hbm>>
    tpu.wait_dma2 semaphore(%arg13 : memref<!tpu.dma_semaphore, #tpu.memory_space<semaphore_mem>>) src(%arg11 : memref<512xf32, #tpu.memory_space<vmem>>) dst(%dma_wait3A_17 : memref<512xf32, #tpu.memory_space<hbm>>)
    return
  }
}

module attributes {stable_mosaic.version = 14 : i64} {
  func.func @_tc_body(%arg0: i32, %arg1: memref<2048x128xf32, #tpu.memory_space<vmem>>, %arg2: memref<16x128xf32, #tpu.memory_space<vmem>>, %arg3: memref<16x128xf32, #tpu.memory_space<vmem>>, %arg4: memref<1x128xf32, #tpu.memory_space<vmem>>, %arg5: memref<2048x128xf32, #tpu.memory_space<vmem>>) attributes {dimension_semantics = [#tpu.dimension_semantics<arbitrary>], iteration_bounds = array<i64: 8>, scalar_prefetch = 0 : i64, scratch_operands = 0 : i64, tpu.core_type = #tpu.core_type<tc>, window_params = [{transform_indices = @transform_0, window_bounds = array<i64: 2048, 128>}, {transform_indices = @transform_1, window_bounds = array<i64: 16, 128>}, {transform_indices = @transform_2, window_bounds = array<i64: 16, 128>}, {pipeline_mode = #tpu.pipeline_mode<synchronous>, transform_indices = @transform_3, window_bounds = array<i64: 1, 128>}, {transform_indices = @transform_4, window_bounds = array<i64: 2048, 128>}]} {
    %get3A = arith.constant 0 : index
    %get3A_0 = arith.constant 0 : index
    %get3A_1 = vector.load %arg2[%get3A, %get3A_0] : memref<16x128xf32, #tpu.memory_space<vmem>>, vector<16x128xf32>
    %reshape3A = vector.shape_cast %get3A_1 : vector<16x128xf32> to vector<16x1x128xf32>
    %transpose3A = tpu.transpose %reshape3A, [0, 2, 1] : vector<16x1x128xf32> -> vector<16x128x1xf32>
    %reshape3A_2 = vector.shape_cast %transpose3A : vector<16x128x1xf32> to vector<2048x1xf32>
    %get3A_3 = arith.constant 0 : index
    %get3A_4 = arith.constant 0 : index
    %get3A_5 = vector.load %arg3[%get3A_3, %get3A_4] : memref<16x128xf32, #tpu.memory_space<vmem>>, vector<16x128xf32>
    %reshape3A_6 = vector.shape_cast %get3A_5 : vector<16x128xf32> to vector<16x1x128xf32>
    %transpose3A_7 = tpu.transpose %reshape3A_6, [0, 2, 1] : vector<16x1x128xf32> -> vector<16x128x1xf32>
    %reshape3A_8 = vector.shape_cast %transpose3A_7 : vector<16x128x1xf32> to vector<2048x1xf32>
    %get3A_9 = arith.constant 0 : index
    %get3A_10 = arith.constant 0 : index
    %get3A_11 = vector.load %arg1[%get3A_9, %get3A_10] : memref<2048x128xf32, #tpu.memory_space<vmem>>, vector<2048x128xf32>
    %add3A = vector.broadcast %reshape3A_2 : vector<2048x1xf32> to vector<2048x128xf32>
    %add3A_12 = arith.addf %add3A, %get3A_11 : vector<2048x128xf32>
    %get3A_13 = arith.constant 0 : index
    %get3A_14 = arith.constant 0 : index
    %get3A_15 = vector.load %arg4[%get3A_13, %get3A_14] : memref<1x128xf32, #tpu.memory_space<vmem>>, vector<1x128xf32>
    %log3A = math.log %get3A_15 : vector<1x128xf32>
    %sub3A = vector.broadcast %reshape3A_8 : vector<2048x1xf32> to vector<2048x128xf32>
    %sub3A_16 = vector.broadcast %log3A : vector<1x128xf32> to vector<2048x128xf32>
    %sub3A_17 = arith.subf %sub3A, %sub3A_16 : vector<2048x128xf32>
    %max3A = arith.maximumf %add3A_12, %sub3A_17 : vector<2048x128xf32>
    %sub3A_18 = arith.subf %add3A_12, %sub3A_17 : vector<2048x128xf32>
    %abs3A = math.absf %sub3A_18 : vector<2048x128xf32>
    %mul3A = arith.constant -1.44269502 : f32
    %mul3A_19 = vector.broadcast %mul3A : f32 to vector<2048x128xf32>
    %mul3A_20 = arith.mulf %abs3A, %mul3A_19 : vector<2048x128xf32>
    %exp23A = math.exp2 %mul3A_20 : vector<2048x128xf32>
    %add3A_21 = arith.constant 1.000000e+00 : f32
    %add3A_22 = vector.broadcast %add3A_21 : f32 to vector<2048x128xf32>
    %add3A_23 = arith.addf %add3A_22, %exp23A : vector<2048x128xf32>
    %log3A_24 = math.log %add3A_23 : vector<2048x128xf32>
    %log3A_25 = arith.constant 2.000000e+00 : f32
    %log3A_26 = math.log %log3A_25 : f32
    %div3A = vector.broadcast %log3A_26 : f32 to vector<2048x128xf32>
    %div3A_27 = arith.divf %log3A_24, %div3A : vector<2048x128xf32>
    %mul3A_28 = arith.constant 0.693147182 : f32
    %mul3A_29 = vector.broadcast %mul3A_28 : f32 to vector<2048x128xf32>
    %mul3A_30 = arith.mulf %div3A_27, %mul3A_29 : vector<2048x128xf32>
    %add3A_31 = arith.addf %max3A, %mul3A_30 : vector<2048x128xf32>
    %swap3A = arith.constant 0 : index
    %swap3A_32 = arith.constant 0 : index
    %swap3A_33 = vector.load %arg5[%swap3A, %swap3A_32] : memref<2048x128xf32, #tpu.memory_space<vmem>>, vector<2048x128xf32>
    tpu.vector_store %arg5[%swap3A, %swap3A_32], %add3A_31 {strides = array<i32>} : memref<2048x128xf32, #tpu.memory_space<vmem>>, vector<2048x128xf32>,
    return
  }
  func.func @transform_0(%arg0: i32) -> (i32, i32) {
    %c0_i32 = arith.constant 0 : i32
    %c0_i32_0 = arith.constant 0 : i32
    return %arg0, %c0_i32 : i32, i32
  }
  func.func @transform_1(%arg0: i32) -> (i32, i32) {
    %c0_i32 = arith.constant 0 : i32
    %c0_i32_0 = arith.constant 0 : i32
    return %arg0, %c0_i32 : i32, i32
  }
  func.func @transform_2(%arg0: i32) -> (i32, i32) {
    %c0_i32 = arith.constant 0 : i32
    %c0_i32_0 = arith.constant 0 : i32
    return %arg0, %c0_i32 : i32, i32
  }
  func.func @transform_3(%arg0: i32) -> (i32, i32) {
    %c0_i32 = arith.constant 0 : i32
    %c0_i32_0 = arith.constant 0 : i32
    %c0_i32_1 = arith.constant 0 : i32
    return %c0_i32, %c0_i32_0 : i32, i32
  }
  func.func @transform_4(%arg0: i32) -> (i32, i32) {
    %c0_i32 = arith.constant 0 : i32
    %c0_i32_0 = arith.constant 0 : i32
    return %arg0, %c0_i32 : i32, i32
  }
}

</mosaic_0001>

<sc_bundles>
// kernel: kernel.4.cloned.1.call-start
scs
__scs_entry_jumppad:
0x0: {  	(pc) =	sbr.rel $0x88, $3  }
0x1: {  	(tag) =	ssettag $0x0;
	lr =	simm.s32 $0x1  }
0x2: {  	[smem:$0x3F9C] =	sst lr;
	_ =	strace $0xD0000000  }
0x3: {  	_ = 	snop  }
0x4: {  	_ = 	snop  }
0x5: {  	_ = 	snop  }
0x6: {  	_ = 	snop  }
0x7: {  	_ = 	snop  }
__scs_overlays_trampoline_lowered:
0x8: {  	[smem:$0x3FAB] =	sst s0  }
0x9: {  	[smem:$0x3FAC] =	sst s1  }
0xa: {  	[smem:$0x3FAD] =	sst s2  }
0xb: {  	[smem:$0x3FAE] =	sst s3  }
0xc: {  	[smem:$0x3FAF] =	sst s4  }
0xd: {  	[smem:$0x3FB0] =	sst s5  }
0xe: {  	[smem:$0x3FB1] =	sst s6  }
0xf: {  	[smem:$0x3FB2] =	sst s7  }
0x10: {  	[smem:$0x3FB3] =	sst s8  }
0x11: {  	[smem:$0x3FB4] =	sst s9;
	s0 =	simm.s32 @!p0 $0x0  }
0x12: {  	s1 =	sld [smem:$0x3F9A];
	s0 =	simm.s32 @p0 $0x1  }
0x13: {  	[smem:$0x3FB5] =	sst s0;
	s0 =	simm.s32 @!p1 $0x0  }
0x14: {  	s2 =	sld [smem:$0x3F99];
	s0 =	simm.s32 @p1 $0x1  }
0x15: {  	[smem:$0x3FB6] =	sst s0;
	s0 =	simm.s32 @!p2 $0x0  }
0x16: {  	s3 =	sld [smem:$0x3FDB];
	s0 =	simm.s32 @p2 $0x1  }
0x17: {  	s4 =	simm.s32 $0x1BF5;
	[smem:$0x3FB8] =	sst s0  }
0x18: {  	s0 =	sld [smem:$0x3F9B];
	_ =	swait.ge [sflag:s4], $0x0  }
0x19: {  	s7 =	sld [smem:$0x3F9C]  }
0x1a: {  	s8 =	sadd.s32 $0xFFFFE003, lr  }
0x1b: {  	s9 =	sadd.s32 $0xFFFFFEF7, lr;
	s5 =	simm.s32 $0xFFFFFFFF;
	p2 =	slt.u32 s8, $0xFFFFF086  }
0x1c: {  	p1 =	slt.u32 s9, $0xF7A;
	s5 =	simm.s32 @!p2 $0x0  }
0x1d: {  	s5 =	simm.s32 @p1 $0x1;
	p0 =	seq.s32 s7, s2  }
0x1e: {  	s7 =	smul.u32 @!p0 $0xF7A, s2;
	p2 =	seq.s32 @!p0 s5, $0x0  }
0x1f: {  	s9 =	smul.u32 $0xF7A, s1;
	s8 =	simm.s32 @!p0 $0x1BF5;
	p2 =	por !p2, p0  }
0x20: {  	[sflag:s8] =	ssyncset.s32 @!p0 $0xFFFFF086;
	s6 =	sadd.s32 @!p0 s3, s7;
	s7 =	simm.s32 @!p0 $0x108  }
0x21: {  	s3 =	sadd.s32 s3, s9;
	s6 =	sadd.s32 @!p0 $0x88, s6;
	s7 =	simm.s32 @p2 $0x1082  }
0x22: {  	[simem:s7], [sflag:s8] =	dma.local @!p0 [hbm:s6], $0xF7A  }
0x23: {  	s9 =	sor.u32 $0xD0000000, s2;
	s6 =	simm.s32 $0x108;
	_ =	swait.ge @!p0 [sflag:s8], $0x0  }
0x24: {  	s3 =	sadd.s32 $0x88, s3;
	s6 =	simm.s32 @!p1 $0x1082;
	[sflag:s4] =	ssyncset.s32 $0xFFFFF086  }
0x25: {  	[simem:s6], [sflag:s4] =	dma.local [hbm:s3], $0xF7A  }
0x26: {  	[smem:$0x3F9C] =	sst s1;
	(tag) =	ssettag s2;
	_ =	strace s9  }
0x27: {  	s1 =	sld [smem:$0x3FAC]  }
0x28: {  	s2 =	sld [smem:$0x3FAD]  }
0x29: {  	s4 =	sld [smem:$0x3FAF]  }
0x2a: {  	p0 =	seq.s32 s5, $0x0;
	s5 =	sld [smem:$0x3FB0]  }
0x2b: {  	s6 =	sld [smem:$0x3FB1]  }
0x2c: {  	s7 =	sld [smem:$0x3FB2]  }
0x2d: {  	s3 =	simm.s32 $0x108;
	s8 =	sld [smem:$0x3FB3]  }
0x2e: {  	s3 =	simm.s32 @!p0 $0x1082;
	s9 =	sld [smem:$0x3FB4]  }
0x2f: {  	lr =	sadd.s32 s0, s3;
	s0 =	sld [smem:$0x3FAB]  }
0x30: {  	s3 =	sld [smem:$0x3FAE]  }
0x31: {  	[smem:$0x3FB7] =	sst s10  }
0x32: {  	s10 =	sld [smem:$0x3FB5];
	_ =	sdelay $0x3  }
0x33: {  	p0 =	seq.s32 s10, $0x1;
	s10 =	sld [smem:$0x3FB7];
	_ =	sdelay $0x3  }
0x34: {  	[smem:$0x3FB7] =	sst s10  }
0x35: {  	s10 =	sld [smem:$0x3FB6];
	_ =	sdelay $0x3  }
0x36: {  	p1 =	seq.s32 s10, $0x1;
	s10 =	sld [smem:$0x3FB7];
	_ =	sdelay $0x3  }
0x37: {  	[smem:$0x3FB7] =	sst s10  }
0x38: {  	s10 =	sld [smem:$0x3FB8]  }
0x39: {  	_ = 	snop;
	(pc) =	sbr.ind lr, $3  }
0x3a: {  	_ = 	snop  }
0x3b: {  	_ = 	snop  }
0x3c: {  	p2 =	seq.s32 s10, $0x1;
	s10 =	sld [smem:$0x3FB7]  }
0x3d: {  	_ =	shalt  }
0x3e: {  	_ =	shalt  }
0x3f: {  	_ =	shalt  }
0x40: {  	_ =	shalt  }
0x41: {  	_ =	shalt  }
0x42: {  	_ =	shalt  }
0x43: {  	_ =	shalt  }
0x44: {  	_ =	shalt  }
0x45: {  	_ =	shalt  }
0x46: {  	_ =	shalt  }
0x47: {  	_ =	shalt  }
0x48: {  	_ =	shalt  }
0x49: {  	_ =	shalt  }
0x4a: {  	_ =	shalt  }
0x4b: {  	_ =	shalt  }
0x4c: {  	_ =	shalt  }
0x4d: {  	_ =	shalt  }
0x4e: {  	_ =	shalt  }
0x4f: {  	_ =	shalt  }
0x50: {  	_ =	shalt  }
0x51: {  	_ =	shalt  }
0x52: {  	_ =	shalt  }
0x53: {  	_ =	shalt  }
0x54: {  	_ =	shalt  }
0x55: {  	_ =	shalt  }
0x56: {  	_ =	shalt  }
0x57: {  	_ =	shalt  }
0x58: {  	_ =	shalt  }
0x59: {  	_ =	shalt  }
0x5a: {  	_ =	shalt  }
0x5b: {  	_ =	shalt  }
0x5c: {  	_ =	shalt  }
0x5d: {  	_ =	shalt  }
0x5e: {  	_ =	shalt  }
0x5f: {  	_ =	shalt  }
0x60: {  	_ =	shalt  }
0x61: {  	_ =	shalt  }
0x62: {  	_ =	shalt  }
0x63: {  	_ =	shalt  }
0x64: {  	_ =	shalt  }
0x65: {  	_ =	shalt  }
0x66: {  	_ =	shalt  }
0x67: {  	_ =	shalt  }
0x68: {  	_ =	shalt  }
0x69: {  	_ =	shalt  }
0x6a: {  	_ =	shalt  }
0x6b: {  	_ =	shalt  }
0x6c: {  	_ =	shalt  }
0x6d: {  	_ =	shalt  }
0x6e: {  	_ =	shalt  }
0x6f: {  	_ =	shalt  }
0x70: {  	_ =	shalt  }
0x71: {  	_ =	shalt  }
0x72: {  	_ =	shalt  }
0x73: {  	_ =	shalt  }
0x74: {  	_ =	shalt  }
0x75: {  	_ =	shalt  }
0x76: {  	_ =	shalt  }
0x77: {  	_ =	shalt  }
0x78: {  	_ =	shalt  }
0x79: {  	_ =	shalt  }
0x7a: {  	_ =	shalt  }
0x7b: {  	_ =	shalt  }
0x7c: {  	_ =	shalt  }
0x7d: {  	_ =	shalt  }
0x7e: {  	_ =	shalt  }
0x7f: {  	_ =	shalt  }
0x80: {  	_ =	shalt  }
0x81: {  	_ =	shalt  }
0x82: {  	_ =	shalt  }
0x83: {  	_ =	shalt  }
0x84: {  	_ =	shalt  }
0x85: {  	_ =	shalt  }
0x86: {  	_ =	shalt  }
0x87: {  	_ =	shalt  }
.Lfunc_end0:
.L_simem_size_0:
called_computation_lowered:
.L_overlay_start_0:
0x88: {  	s2 =	sld [smem:$0x3FD9]  }
0x89: {  	s3 =	sld [smem:$0x3FFE];
	_ =	sdelay $0x1  }
0x8a: {  	s1 =	srdreg.scid  }
0x8b: {  	s0 =	sand.u32 $0x1, s1  }
0x8c: {  	s17 =	sshll.u32 s0, $0xA;
	s2 =	sadd.s32 s3, s2  }
0x8d: {  	s2 =	sadd.s32 s2, s17  }
0x8e: {  	[smem:$0x3FC3] =	sst s2  }
0x8f: {  	_ = 	snop  }
0x90: {  	s2 =	sld [smem:$0x3FC8]  }
0x91: {  	s18 =	sld [smem:$0x3FC7]  }
0x92: {  	s4 =	sld [smem:$0x3FC6]  }
0x93: {  	s5 =	sld [smem:$0x3FD0];
	(tm) =	ssettm $0x1  }
0x94: {  	s6 =	sld [smem:$0x3FFB];
	_ =	sdelay $0x3  }
0x95: {  	_ =	strace s6  }
0x96: {  	s6 =	sld [smem:$0x3FFC];
	_ =	sdelay $0x3  }
0x97: {  	_ =	strace s6  }
0x98: {  	s6 =	sld [smem:$0x3FFD];
	_ =	sdelay $0x3  }
0x99: {  	_ =	strace s6  }
0x9a: {  	_ =	strace $0x8FFFFFFF  }
0x9b: {  	s19 =	sld [smem:$0x3FDB];
	_ =	sdelay $0x1  }
0x9c: {  	s7 =	simm.s32 $_scs_section_size  }
0x9d: {  	s8 =	simm.s32 $_size__tile_overlayer_lowered;
	s9 =	simm.s32 $_tile_overlayer_lowered  }
0x9e: {  	s22 =	simm.s32 $0x1BFF;
	s21 =	sshll.u32 s9, $0x1;
	s6 =	sadd.s32 s7, s19  }
0x9f: {  	s10 =	simm.s32 $0x0;
	s20 =	sshll.u32 s8, $0x1;
	s8 =	sadd.s32 s21, s6  }
0xa0: {  	[timem:s10], [sflag:s22] =	dma.local [hbm:s8], s20  }
0xa1: {  	_ =	swait.ge [sflag:s22], s20  }
0xa2: {  	s7 =	ssub.s32 $0x0, s20;
	[sflag:s22] =	ssyncset.done $0x0  }
0xa3: {  	[sflag:s22] =	ssyncadd.s32 s7;
	_ =	sdelay $0x1  }
0xa4: {  	s23 =	simm.s32 $0x1B8B  }
0xa5: {  	_ =	swait.ge [sflag:s23], $0x1  }
0xa6: {  	[sflag:s23] =	ssyncset.done $0x0  }
0xa7: {  	s25 =	simm.s32 $0x1B8E;
	s24 =	sld [smem:$0x3FFE];
	[sflag:s23] =	ssyncadd.s32 $0xFFFFFFFF  }
0xa8: {  	s26 =	simm.s32 $execute0_lowered;
	[smem:$0x3FD2] =	sst s25  }
0xa9: {  	s8 =	sshll.u32 s26, $0x1;
	_ =	strace $0x80000046;
	[dreg:$0x1] =	wrdreg $0xFFFFFFFF  }
0xaa: {  	s28 =	simm.s32 $_size_execute0_lowered;
	s6 =	sadd.s32 s6, s8;
	[dreg:$0x0] =	wrdreg $0x0  }
0xab: {  	s8 =	sshll.u32 s28, $0x1;
	[dreg:$0x2] =	wrdreg s6  }
0xac: {  	[dreg:$0x3] =	wrdreg s8  }
0xad: {  	[dreg:$0x4] =	wrdreg $0xC0  }
0xae: {  	_ =	task [dreg:s10], $0x5FFFF  }
0xaf: {  	[dreg:$0x1] =	wrdreg $0xFFFFFFFF  }
0xb0: {  	[dreg:$0x0] =	wrdreg $0x60  }
0xb1: {  	[dreg:$0x2] =	wrdreg s2  }
0xb2: {  	[dreg:$0x3] =	wrdreg s18  }
0xb3: {  	[dreg:$0x4] =	wrdreg s4  }
0xb4: {  	[dreg:$0x5] =	wrdreg s5  }
0xb5: {  	[dreg:$0x6] =	wrdreg s24  }
0xb6: {  	[dreg:$0x7] =	wrdreg $0x9  }
0xb7: {  	_ =	task.clear_ibuf [dreg:s10], $0x8FFFF;
	_ =	strace $0x90000046  }
0xb8: {  	s29 =	simm.s32 $0x9;
	_ =	strace $0x80000048  }
0xb9: {  	_ =	swait.ge [sflag:s29], $0x1  }
0xba: {  	[sflag:s29] =	ssyncadd.s32 $0xFFFFFFFF  }
0xbb: {  	_ =	strace $0x90000048  }
0xbc: {  	_ =	sfence  }
0xbd: {  	s30 =	sld [smem:$0x0];
	_ =	sdelay $0x2  }
0xbe: {  	s31 =	sshll.u32 s1, $0xD;
	s1 =	sshrl.u32 s1, $0x2  }
0xbf: {  	s3 =	sand.u32 $0x4000, s31;
	s1 =	sadd.s32 s1, s30  }
0xc0: {  	s0 =	sor.u32 s3, s0;
	s1 =	sshll.u32 s1, $0x11  }
0xc1: {  	s0 =	sor.u32 s1, s0  }
0xc2: {  	s0 =	sadd.s32 $0x8F2B, s0  }
0xc3: {  	[sflag:s0] =	ssyncadd.remote.s32 $0x1  }
0xc4: {  	_ =	sfence.sel $0xFFFF  }
0xc5: {  	[dreg:$0x0] =	wrdreg $0xFFFFFFFF;
	(pc) =	sbr.abs _section_cstart, $3  }
0xc6: {  	[dreg:$0x1] =	wrdreg $0xFFFFFFFF  }
0xc7: {  	_ =	task.clear_ibuf [dreg:s10], $0x2FFFF;
	_ =	strace $0x9FFFFFFF  }
0xc8: {  	(tm) =	ssettm $0x7FFFFFFF  }
0xc9: {  	_ =	shalt  }
tec
execute0_lowered:
.L_overlay_start_1:
0x0: {  	(tag) =	ssettag $0x1  }
0x1: {  	s5 =	rddreg [dreg:$0x0]  }
0x2: {  	s1 =	rddreg [dreg:$0x1]  }
0x3: {  	s2 =	rddreg [dreg:$0x2]  }
0x4: {  	s6 =	rddreg [dreg:$0x3]  }
0x5: {  	s7 =	rddreg [dreg:$0x4]  }
0x6: {  	s0 =	rddreg [dreg:$0x5];
	s8 =	srdreg.scid  }
0x7: {  	s4 =	simm.s32 $0x0;
	s3 =	stileid.u32;
	s11 =	simm.s32 $0x1  }
0x8: {  	s12 =	simm.s32 $0x2;
	s13 =	simm.s32 $0x3;
	s14 =	simm.s32 $0xA00  }
0x9: {  	s15 =	simm.s32 $0xC00;
	s16 =	simm.s32 $0x0;
	s8 =	sand.u32 $0x1, s8  }
0xa: {  	s9 =	sshll.u32 s3, $0x7;
	[smem:$0x7FF] =	sst s4;
	s10 =	sshll.u32 s8, $0x6  }
0xb: {  	s8 =	ssub.s32 $0x2, s8;
	_ =	strace $0x80000047;
	s9 =	sor.u32 s10, s9  }
0xc: {  	s31 =	sshrl.u32 s8, $0x1;
	s10 =	simm.s32 $0x800;
	s7 =	sadd.s32 s9, s7  }
0xd: {  	s8 =	ssub.s32 s8, s31;
	s5 =	sadd.s32 s5, s9;
	s6 =	sadd.s32 s6, s9  }
0xe: {  	s9 =	simm.s32 $0x400;
	s7 =	sadd.s32 $0x1000, s7;
	s8 =	smax.u32 s8, $0x1  }
.LBB2_1:
0xf: {  	[tilespmem:s4], [sflag:$0x1] =	stream.linear.gather [hbm4b:s1+s4], $0x400, $0x38;
	[tilespmem:$0xE00] =	vst v63  }
0x10: {  	_ = 	snop  }
0x11: {  	[tilespmem:s9], [sflag:$0x2] =	stream.linear.gather [hbm4b:s2+s4], $0x400, $0x38;
	[tilespmem:$0xE00] =	vst v63  }
0x12: {  	_ = 	snop  }
0x13: {  	[tilespmem:s10], [sflag:$0x3] =	stream.linear.gather [hbm4b:s5+s4], $0x200, $0x38;
	[tilespmem:$0xE00] =	vst v63  }
0x14: {  	_ =	swait.ge [sflag:s11], $0x400  }
0x15: {  	[sflag:s11] =	ssyncset.done $0x0  }
0x16: {  	[sflag:s11] =	ssyncadd.s32 $0xFFFFFC00  }
0x17: {  	_ =	swait.ge [sflag:s12], $0x400  }
0x18: {  	[sflag:s12] =	ssyncset.done $0x0  }
0x19: {  	[sflag:s12] =	ssyncadd.s32 $0xFFFFFC00  }
0x1a: {  	_ =	swait.ge [sflag:s13], $0x200  }
0x1b: {  	[sflag:s13] =	ssyncset.done $0x0  }
0x1c: {  	s17 =	simm.s32 $0x0;
	[sflag:s13] =	ssyncadd.s32 $0xFFFFFE00  }
0x1d: {  	v0 =	vld [tilespmem:s17+$0x800];
	_ =	sdelay $0x7  }
0x1e: {  	v1 =	vld.idx.msk [tilespmem:v0+s4+$0x0], $0xffff;
	_ =	sdelay $0x3  }
0x1f: {  	s18 =	simm.s32 $0x10;
	s19 =	simm.s32 $0x80  }
.LBB2_2:
0x20: {  	p0 =	sne.s32 s19, $0x7C0;
	v2 =	vld [tilespmem:s18+$0x800];
	[tilespmem:s17+$0xA00] =	vst v1  }
0x21: {  	v1 =	vld.idx.msk [tilespmem:v0+s9+$0x0], $0xffff;
	_ =	sdelay $0x3  }
0x22: {  	v0 =	vmov v2;
	_ =	sdelay $0x1  }
0x23: {  	[tilespmem:s17+$0xC00] =	vst v1;
	s17 =	smov.u32 s18  }
0x24: {  	v1 =	vld.idx.msk [tilespmem:v2+s4+$0x0], $0xffff  }
.Ltmp0:
0x25: {  	(pc) =	sbr.rel @p0 .LBB2_2-.Ltmp0, $2  }
0x26: {  	_ =	sdelay $0x2  }
0x27: {  	s18 =	sshra.s32 s19, $0x2;
	s19 =	sadd.s32 $0x40, s19  }
0x28: {  	_ =	sdelay $0x1  }
0x29: {  	v2 =	vld [tilespmem:s18+$0x800]  }
0x2a: {  	[tilespmem:s17+$0xA00] =	vst v1  }
0x2b: {  	v0 =	vld.idx.msk [tilespmem:v0+s9+$0x0], $0xffff;
	_ =	sdelay $0x4  }
0x2c: {  	[tilespmem:s17+$0xC00] =	vst v0  }
0x2d: {  	v0 =	vld.idx.msk [tilespmem:v2+s4+$0x0], $0xffff;
	_ =	sdelay $0x4  }
0x2e: {  	[tilespmem:s18+$0xA00] =	vst v0  }
0x2f: {  	v0 =	vld.idx.msk [tilespmem:v2+s9+$0x0], $0xffff;
	_ =	sdelay $0x4  }
0x30: {  	[tilespmem:s18+$0xC00] =	vst v0  }
0x31: {  	[hbm4b:s6+s4] =	stream.linear.scatter [tilespmem:s14], [sflag:$0x1], $0x200, $0x38;
	[tilespmem:$0xE00] =	vst v63  }
0x32: {  	s16 =	sadd.s32 $0x1, s16  }
0x33: {  	[hbm4b:s7+s4] =	stream.linear.scatter [tilespmem:s15], [sflag:$0x2], $0x200, $0x38;
	[tilespmem:$0xE00] =	vst v63  }
0x34: {  	p0 =	sne.s32 s16, s8;
	_ =	swait.ge [sflag:s11], $0x200  }
.Ltmp1:
0x35: {  	[sflag:s11] =	ssyncset.done $0x0;
	(pc) =	sbr.rel @p0 .LBB2_1-.Ltmp1, $4  }
0x36: {  	[sflag:s11] =	ssyncadd.s32 $0xFFFFFE00  }
0x37: {  	_ =	swait.ge [sflag:s12], $0x200  }
0x38: {  	[sflag:s12] =	ssyncset.done $0x0  }
0x39: {  	[sflag:s12] =	ssyncadd.s32 $0xFFFFFE00  }
0x3a: {  	_ =	sfence.sel $0x180000  }
0x3b: {  	[bflag:$0x0] =	sbarrier.arrive $0xFFFF  }
0x3c: {  	p0 =	sne.s32 s3, $0x0;
	_ =	strace $0x90000047  }
0x3d: {  	s0 =	sadd.s32 @!p0 $0x100000, s0;
	[bflag:$0x2] =	sbarrier.arrive $0xFFFF  }
0x3e: {  	[sflag:s0] =	ssyncadd.tile.s32 @!p0 $0x1;
	_ =	shalt  }
.Lfunc_end2:
_tile_overlayer_lowered:
.L_overlay_start_2:
0x3f: {  	(tag) =	ssettag $0x2  }
0x40: {  	s0 =	rddreg [dreg:$0x0];
	s2 =	stileid.u32  }
0x41: {  	s1 =	rddreg [dreg:$0x1];
	p0 =	sne.s32 s2, $0x0  }
0x42: {  	s3 =	rddreg [dreg:$0x2];
	[bflag:$0x3] =	sbarrier.arrive $0xFFFF;
	s2 =	simm.s32 @!p0 $0x1C04  }
0x43: {  	[timem:s3], [sflag:s2] =	dma.local @!p0 [hbm:s0], s1  }
0x44: {  	s0 =	simm.s32 @!p0 $0x4  }
0x45: {  	_ =	swait.ge @!p0 [sflag:s0], s1  }
0x46: {  	s1 =	ssub.s32 @!p0 $0x0, s1;
	[sflag:s0] =	ssyncset.done @!p0 $0x0  }
0x47: {  	[sflag:s0] =	ssyncadd.s32 @!p0 s1  }
0x48: {  	[bflag:$0x3] =	sbarrier.arrive $0xFFFF  }
0x49: {  	_ =	shalt  }

</sc_bundles>
